<compile_context>
chip_gen: v7x
topology: tpu7x:2x2x1
jax: 0.10.2.dev20260603
libtpu: 0.0.44.dev20260713+nightly
codegen_flags: <defaults>
</compile_context>

<pallas_src>
import functools

import jax
import jax.numpy as jnp
from jax.experimental import pallas as pl

TOPK = 4
GAMMA = 0.1
BB = 256


def _agl_kernel(x_ref, pose_ref, w_ref, b_ref, h_ref, adj_ref,
                *, bb, k, din, dout):
    r = bb * k
    x2 = x_ref[...]
    h2 = jnp.dot(x2, w_ref[...],
                 preferred_element_type=jnp.float32) + b_ref[...]
    h_ref[...] = h2

    h3 = h2.reshape(bb, k, dout)
    sq = jnp.sum(h3 * h3, axis=2)
    g = jax.lax.dot_general(
        h3, h3, (((2,), (2,)), ((0,), (0,))),
        preferred_element_type=jnp.float32,
    )
    d2 = sq[:, :, None] + sq[:, None, :] - 2.0 * g
    d2 = jnp.maximum(d2, 1e-12)

    work = d2
    for _ in range(TOPK - 1):
        m = jnp.min(work, axis=2, keepdims=True)
        work = jnp.where(work <= m, jnp.float32(jnp.inf), work)
    thresh = jnp.min(work, axis=2, keepdims=True)
    knn = (d2 <= thresh).astype(jnp.float32)

    col = jax.lax.broadcasted_iota(jnp.int32, (1, 1, k), 2)
    row = jax.lax.broadcasted_iota(jnp.int32, (1, k, k), 1)
    eye = (row == col).astype(jnp.float32)
    blended = (pose_ref[...] + GAMMA * (knn + eye)) / (1.0 + GAMMA)
    norm = jnp.maximum(jnp.sum(jnp.abs(blended), axis=2, keepdims=True),
                       1e-12)
    adj_ref[...] = blended / norm


@jax.jit
def kernel(x, pose_adj, W, b):
    B, K, DIN = x.shape
    DOUT = W.shape[1]
    R = BB * K
    grid = (B // BB,)
    x2 = x.reshape(B * K, DIN)
    b2 = b.reshape(1, DOUT)

    h2, adj = pl.pallas_call(
        functools.partial(_agl_kernel, bb=BB, k=K, din=DIN, dout=DOUT),
        grid=grid,
        in_specs=[
            pl.BlockSpec((R, DIN), lambda i: (i, 0)),
            pl.BlockSpec((BB, K, K), lambda i: (i, 0, 0)),
            pl.BlockSpec((DIN, DOUT), lambda i: (0, 0)),
            pl.BlockSpec((1, DOUT), lambda i: (0, 0)),
        ],
        out_specs=[
            pl.BlockSpec((R, DOUT), lambda i: (i, 0)),
            pl.BlockSpec((BB, K, K), lambda i: (i, 0, 0)),
        ],
        out_shape=[
            jax.ShapeDtypeStruct((B * K, DOUT), jnp.float32),
            jax.ShapeDtypeStruct((B, K, K), jnp.float32),
        ],
    )(x2, pose_adj, W, b2)
    return (h2.reshape(B, K, DOUT), adj)

# --- scband reference (transcript-rebuilt; emitter-appended) ---
"""Pipeline reference for scband-adaptive-graph-layer-34256659153294 (READ-ONLY COPY).

The authoritative reference and input builder live on the scoring server;
editing this copy changes nothing except your own understanding.
"""

import jax, jax.numpy as jnp
import numpy as np

B = 16384
K = 17
IN = 64
OUT = 64
TOPK = 4
GAMMA = 0.1
TEMP = 0.1

def setup_inputs(seed: int = 0) -> dict:
    key = jax.random.key(seed)
    k1, k2, k3, k4 = jax.random.split(key, 4)
    x = jax.random.normal(k1, (B, K, IN), dtype=jnp.float32)
    pose_adj = jax.random.uniform(k2, (B, K, K), dtype=jnp.float32)
    W = jax.random.normal(k3, (IN, OUT), dtype=jnp.float32) * 0.05
    b = jax.random.normal(k4, (OUT,), dtype=jnp.float32) * 0.01
    return {"x": x, "pose_adj": pose_adj, "W": W, "b": b}

def reference(x, pose_adj, W, b):
    # fc
    h = jnp.einsum('bki,io->bko', x, W) + b
    # l2 similarity matrix: exp(-dist / temperature)
    sq = jnp.sum(h ** 2, axis=2)                      # [B, K]
    distmat = sq[:, None, :] + sq[:, :, None]
    distmat = distmat - 2.0 * jnp.einsum('bik,bjk->bij', h, h)
    distmat = jnp.sqrt(jnp.clip(distmat, 1e-12, None))
    sim = jnp.exp(-distmat / TEMP)                    # [B, K, K]
    # knn graph: top-k per row, scatter-set 1s, add identity
    _, idx = jax.lax.top_k(sim, TOPK)                 # [B, K, TOPK]
    bi = jnp.arange(B)[:, None, None]
    ri = jnp.arange(K)[None, :, None]
    adj = jnp.zeros_like(sim).at[bi, ri, idx].set(1.0)
    adj = adj + jnp.eye(K, dtype=adj.dtype)
    # blend with pose adjacency and L1-normalize rows (F.normalize p=1 dim=2)
    adj = (pose_adj + GAMMA * adj) / (1.0 + GAMMA)
    norm = jnp.clip(jnp.sum(jnp.abs(adj), axis=2, keepdims=True), 1e-12, None)
    adj = adj / norm
    return (h, adj)

if __name__ == "__main__":
    import jax
    _d = setup_inputs()
    print(jax.jit(kernel)(*tuple(_d.values())))

</pallas_src>

<mosaic_0001>
module attributes {stable_mosaic.version = 14 : i64} {
  func.func @_agl_kernel(%arg0: i32, %arg1: memref<4352x64xf32, #tpu.memory_space<vmem>>, %arg2: memref<256x17x17xf32, #tpu.memory_space<vmem>>, %arg3: memref<64x64xf32, #tpu.memory_space<vmem>>, %arg4: memref<1x64xf32, #tpu.memory_space<vmem>>, %arg5: memref<4352x64xf32, #tpu.memory_space<vmem>>, %arg6: memref<256x17x17xf32, #tpu.memory_space<vmem>>) attributes {dimension_semantics = [#tpu.dimension_semantics<arbitrary>], iteration_bounds = array<i64: 64>, scalar_prefetch = 0 : i64, scratch_operands = 0 : i64, tpu.core_type = #tpu.core_type<tc>, window_params = [{transform_indices = @transform_0, window_bounds = array<i64: 4352, 64>}, {transform_indices = @transform_1, window_bounds = array<i64: 256, 17, 17>}, {pipeline_mode = #tpu.pipeline_mode<synchronous>, transform_indices = @transform_2, window_bounds = array<i64: 64, 64>}, {pipeline_mode = #tpu.pipeline_mode<synchronous>, transform_indices = @transform_3, window_bounds = array<i64: 1, 64>}, {transform_indices = @transform_4, window_bounds = array<i64: 4352, 64>}, {transform_indices = @transform_5, window_bounds = array<i64: 256, 17, 17>}]} {
    %get3A = arith.constant 0 : index
    %get3A_0 = arith.constant 0 : index
    %get3A_1 = vector.load %arg1[%get3A, %get3A_0] : memref<4352x64xf32, #tpu.memory_space<vmem>>, vector<4352x64xf32>
    %get3A_2 = arith.constant 0 : index
    %get3A_3 = arith.constant 0 : index
    %get3A_4 = vector.load %arg3[%get3A_2, %get3A_3] : memref<64x64xf32, #tpu.memory_space<vmem>>, vector<64x64xf32>
    %dot_general3A = arith.constant dense<0.000000e+00> : vector<4352x64xf32>
    %dot_general3A_5 = tpu.matmul %get3A_1, %get3A_4, %dot_general3A {dimension_numbers = #tpu.dot_dimension_numbers<[1], [0], [0], [1], [0, 0, 1, 1], [], []>, transpose_lhs_hint = false} : vector<4352x64xf32>, vector<64x64xf32>, vector<4352x64xf32> -> vector<4352x64xf32>
    %get3A_6 = arith.constant 0 : index
    %get3A_7 = arith.constant 0 : index
    %get3A_8 = vector.load %arg4[%get3A_6, %get3A_7] : memref<1x64xf32, #tpu.memory_space<vmem>>, vector<1x64xf32>
    %add3A = vector.broadcast %get3A_8 : vector<1x64xf32> to vector<4352x64xf32>
    %add3A_9 = arith.addf %dot_general3A_5, %add3A : vector<4352x64xf32>
    %swap3A = arith.constant 0 : index
    %swap3A_10 = arith.constant 0 : index
    %swap3A_11 = vector.load %arg5[%swap3A, %swap3A_10] : memref<4352x64xf32, #tpu.memory_space<vmem>>, vector<4352x64xf32>
    tpu.vector_store %arg5[%swap3A, %swap3A_10], %add3A_9 {strides = array<i32>} : memref<4352x64xf32, #tpu.memory_space<vmem>>, vector<4352x64xf32>,
    %reshape3A = vector.shape_cast %add3A_9 : vector<4352x64xf32> to vector<256x17x64xf32>
    %mul3A = arith.mulf %reshape3A, %reshape3A : vector<256x17x64xf32>
    %reduce_sum3A = arith.constant dense<0.000000e+00> : vector<256x17xf32>
    %reduce_sum3A_12 = vector.multi_reduction <add>, %mul3A, %reduce_sum3A [2] : vector<256x17x64xf32> to vector<256x17xf32>
    %dot_general3A_13 = arith.constant dense<0.000000e+00> : vector<256x17x17xf32>
    %dot_general3A_14 = tpu.matmul %reshape3A, %reshape3A, %dot_general3A_13 {dimension_numbers = #tpu.dot_dimension_numbers<[2], [2], [1], [1], [0, 0, 0, 1, 1, 1], [0], [0]>, transpose_lhs_hint = false} : vector<256x17x64xf32>, vector<256x17x64xf32>, vector<256x17x17xf32> -> vector<256x17x17xf32>
    %broadcast_in_dim3A = vector.shape_cast %reduce_sum3A_12 : vector<256x17xf32> to vector<256x17x1xf32>
    %broadcast_in_dim3A_15 = vector.shape_cast %reduce_sum3A_12 : vector<256x17xf32> to vector<256x1x17xf32>
    %add3A_16 = vector.broadcast %broadcast_in_dim3A : vector<256x17x1xf32> to vector<256x17x17xf32>
    %add3A_17 = vector.broadcast %broadcast_in_dim3A_15 : vector<256x1x17xf32> to vector<256x17x17xf32>
    %add3A_18 = arith.addf %add3A_16, %add3A_17 : vector<256x17x17xf32>
    %mul3A_19 = arith.constant 2.000000e+00 : f32
    %mul3A_20 = vector.broadcast %mul3A_19 : f32 to vector<256x17x17xf32>
    %mul3A_21 = arith.mulf %mul3A_20, %dot_general3A_14 : vector<256x17x17xf32>
    %sub3A = arith.subf %add3A_18, %mul3A_21 : vector<256x17x17xf32>
    %max3A = arith.constant 9.99999996E-13 : f32
    %max3A_22 = vector.broadcast %max3A : f32 to vector<256x17x17xf32>
    %max3A_23 = arith.maximumf %sub3A, %max3A_22 : vector<256x17x17xf32>
    %reduce_min3A = arith.constant dense<0x7F800000> : vector<256x17xf32>
    %reduce_min3A_24 = vector.multi_reduction <minimumf>, %max3A_23, %reduce_min3A [2] : vector<256x17x17xf32> to vector<256x17xf32>
    %broadcast_in_dim3A_25 = vector.shape_cast %reduce_min3A_24 : vector<256x17xf32> to vector<256x17x1xf32>
    %le3A = vector.broadcast %broadcast_in_dim3A_25 : vector<256x17x1xf32> to vector<256x17x17xf32>
    %le3A_26 = arith.cmpf ole, %max3A_23, %le3A : vector<256x17x17xf32>
    %jit3A = arith.constant 0x7F800000 : f32
    %broadcast_in_dim3A_27 = vector.broadcast %jit3A : f32 to vector<256x17x17xf32>
    %select_n3A = arith.select %le3A_26, %broadcast_in_dim3A_27, %max3A_23 : vector<256x17x17xi1>, vector<256x17x17xf32>
    %reduce_min3A_28 = arith.constant dense<0x7F800000> : vector<256x17xf32>
    %reduce_min3A_29 = vector.multi_reduction <minimumf>, %select_n3A, %reduce_min3A_28 [2] : vector<256x17x17xf32> to vector<256x17xf32>
    %broadcast_in_dim3A_30 = vector.shape_cast %reduce_min3A_29 : vector<256x17xf32> to vector<256x17x1xf32>
    %le3A_31 = vector.broadcast %broadcast_in_dim3A_30 : vector<256x17x1xf32> to vector<256x17x17xf32>
    %le3A_32 = arith.cmpf ole, %select_n3A, %le3A_31 : vector<256x17x17xf32>
    %jit3A_33 = arith.constant 0x7F800000 : f32
    %broadcast_in_dim3A_34 = vector.broadcast %jit3A_33 : f32 to vector<256x17x17xf32>
    %select_n3A_35 = arith.select %le3A_32, %broadcast_in_dim3A_34, %select_n3A : vector<256x17x17xi1>, vector<256x17x17xf32>
    %reduce_min3A_36 = arith.constant dense<0x7F800000> : vector<256x17xf32>
    %reduce_min3A_37 = vector.multi_reduction <minimumf>, %select_n3A_35, %reduce_min3A_36 [2] : vector<256x17x17xf32> to vector<256x17xf32>
    %broadcast_in_dim3A_38 = vector.shape_cast %reduce_min3A_37 : vector<256x17xf32> to vector<256x17x1xf32>
    %le3A_39 = vector.broadcast %broadcast_in_dim3A_38 : vector<256x17x1xf32> to vector<256x17x17xf32>
    %le3A_40 = arith.cmpf ole, %select_n3A_35, %le3A_39 : vector<256x17x17xf32>
    %jit3A_41 = arith.constant 0x7F800000 : f32
    %broadcast_in_dim3A_42 = vector.broadcast %jit3A_41 : f32 to vector<256x17x17xf32>
    %select_n3A_43 = arith.select %le3A_40, %broadcast_in_dim3A_42, %select_n3A_35 : vector<256x17x17xi1>, vector<256x17x17xf32>
    %reduce_min3A_44 = arith.constant dense<0x7F800000> : vector<256x17xf32>
    %reduce_min3A_45 = vector.multi_reduction <minimumf>, %select_n3A_43, %reduce_min3A_44 [2] : vector<256x17x17xf32> to vector<256x17xf32>
    %broadcast_in_dim3A_46 = vector.shape_cast %reduce_min3A_45 : vector<256x17xf32> to vector<256x17x1xf32>
    %le3A_47 = vector.broadcast %broadcast_in_dim3A_46 : vector<256x17x1xf32> to vector<256x17x17xf32>
    %le3A_48 = arith.cmpf ole, %max3A_23, %le3A_47 : vector<256x17x17xf32>
    %convert_element_type3A = arith.extui %le3A_48 : vector<256x17x17xi1> to vector<256x17x17xi32>
    %convert_element_type3A_49 = arith.sitofp %convert_element_type3A : vector<256x17x17xi32> to vector<256x17x17xf32>
    %iota3A = tpu.iota {dimensions = array<i32: 2>} : vector<1x1x17xi32>
    %iota3A_50 = tpu.iota {dimensions = array<i32: 1>} : vector<1x17x17xi32>
    %eq3A = vector.broadcast %iota3A : vector<1x1x17xi32> to vector<1x17x17xi32>
    %eq3A_51 = arith.cmpi eq, %iota3A_50, %eq3A : vector<1x17x17xi32>
    %convert_element_type3A_52 = arith.extui %eq3A_51 : vector<1x17x17xi1> to vector<1x17x17xi32>
    %convert_element_type3A_53 = arith.sitofp %convert_element_type3A_52 : vector<1x17x17xi32> to vector<1x17x17xf32>
    %get3A_54 = arith.constant 0 : index
    %get3A_55 = arith.constant 0 : index
    %get3A_56 = arith.constant 0 : index
    %get3A_57 = vector.load %arg2[%get3A_54, %get3A_55, %get3A_56] : memref<256x17x17xf32, #tpu.memory_space<vmem>>, vector<256x17x17xf32>
    %add3A_58 = vector.broadcast %convert_element_type3A_53 : vector<1x17x17xf32> to vector<256x17x17xf32>
    %add3A_59 = arith.addf %convert_element_type3A_49, %add3A_58 : vector<256x17x17xf32>
    %mul3A_60 = arith.constant 1.000000e-01 : f32
    %mul3A_61 = vector.broadcast %mul3A_60 : f32 to vector<256x17x17xf32>
    %mul3A_62 = arith.mulf %mul3A_61, %add3A_59 : vector<256x17x17xf32>
    %add3A_63 = arith.addf %get3A_57, %mul3A_62 : vector<256x17x17xf32>
    %div3A = arith.constant 1.100000e+00 : f32
    %div3A_64 = vector.broadcast %div3A : f32 to vector<256x17x17xf32>
    %div3A_65 = arith.divf %add3A_63, %div3A_64 : vector<256x17x17xf32>
    %abs3A = math.absf %div3A_65 : vector<256x17x17xf32>
    %reduce_sum3A_66 = arith.constant dense<0.000000e+00> : vector<256x17xf32>
    %reduce_sum3A_67 = vector.multi_reduction <add>, %abs3A, %reduce_sum3A_66 [2] : vector<256x17x17xf32> to vector<256x17xf32>
    %broadcast_in_dim3A_68 = vector.shape_cast %reduce_sum3A_67 : vector<256x17xf32> to vector<256x17x1xf32>
    %max3A_69 = arith.constant 9.99999996E-13 : f32
    %max3A_70 = vector.broadcast %max3A_69 : f32 to vector<256x17x1xf32>
    %max3A_71 = arith.maximumf %broadcast_in_dim3A_68, %max3A_70 : vector<256x17x1xf32>
    %div3A_72 = vector.broadcast %max3A_71 : vector<256x17x1xf32> to vector<256x17x17xf32>
    %div3A_73 = arith.divf %div3A_65, %div3A_72 : vector<256x17x17xf32>
    %swap3A_74 = arith.constant 0 : index
    %swap3A_75 = arith.constant 0 : index
    %swap3A_76 = arith.constant 0 : index
    %swap3A_77 = vector.load %arg6[%swap3A_74, %swap3A_75, %swap3A_76] : memref<256x17x17xf32, #tpu.memory_space<vmem>>, vector<256x17x17xf32>
    tpu.vector_store %arg6[%swap3A_74, %swap3A_75, %swap3A_76], %div3A_73 {strides = array<i32>} : memref<256x17x17xf32, #tpu.memory_space<vmem>>, vector<256x17x17xf32>,
    return
  }
  func.func @transform_0(%arg0: i32) -> (i32, i32) {
    %c0_i32 = arith.constant 0 : i32
    %c0_i32_0 = arith.constant 0 : i32
    return %arg0, %c0_i32 : i32, i32
  }
  func.func @transform_1(%arg0: i32) -> (i32, i32, i32) {
    %c0_i32 = arith.constant 0 : i32
    %c0_i32_0 = arith.constant 0 : i32
    %c0_i32_1 = arith.constant 0 : i32
    return %arg0, %c0_i32, %c0_i32_0 : i32, i32, i32
  }
  func.func @transform_2(%arg0: i32) -> (i32, i32) {
    %c0_i32 = arith.constant 0 : i32
    %c0_i32_0 = arith.constant 0 : i32
    %c0_i32_1 = arith.constant 0 : i32
    return %c0_i32, %c0_i32_0 : i32, i32
  }
  func.func @transform_3(%arg0: i32) -> (i32, i32) {
    %c0_i32 = arith.constant 0 : i32
    %c0_i32_0 = arith.constant 0 : i32
    %c0_i32_1 = arith.constant 0 : i32
    return %c0_i32, %c0_i32_0 : i32, i32
  }
  func.func @transform_4(%arg0: i32) -> (i32, i32) {
    %c0_i32 = arith.constant 0 : i32
    %c0_i32_0 = arith.constant 0 : i32
    return %arg0, %c0_i32 : i32, i32
  }
  func.func @transform_5(%arg0: i32) -> (i32, i32, i32) {
    %c0_i32 = arith.constant 0 : i32
    %c0_i32_0 = arith.constant 0 : i32
    %c0_i32_1 = arith.constant 0 : i32
    return %arg0, %c0_i32, %c0_i32_0 : i32, i32, i32
  }
}

</mosaic_0001>

<sc_bundles>
// kernel: sparse-core-data-format-call.cloned.1.call-start
scs
called_computation_lowered:
.L_overlay_start_0:
0x0: {  	s2 =	sld [smem:$0x3FD9]  }
0x1: {  	s3 =	sld [smem:$0x3FFE];
	_ =	sdelay $0x1  }
0x2: {  	s1 =	srdreg.scid  }
0x3: {  	s0 =	sand.u32 $0x1, s1  }
0x4: {  	s15 =	sshll.u32 s0, $0xA;
	s2 =	sadd.s32 s3, s2  }
0x5: {  	s2 =	sadd.s32 s2, s15  }
0x6: {  	[smem:$0x3FC4] =	sst s2  }
0x7: {  	_ = 	snop  }
0x8: {  	s2 =	sld [smem:$0x3FD0];
	_ =	sdelay $0x2  }
0x9: {  	s16 =	simm.s32 $0xA;
	s4 =	simm.s32 $0x10  }
0xa: {  	[smem:s4], [sflag:s16] =	dma.local [hbm:s2], $0x1  }
0xb: {  	_ =	swait.eq [sflag:s16], $0x1  }
0xc: {  	[sflag:s16] =	ssyncset.done $0x0  }
0xd: {  	[sflag:s16] =	ssyncadd.s32 $0xFFFFFFFF  }
0xe: {  	s17 =	sld [smem:$0x10];
	(tm) =	ssettm $0x1  }
0xf: {  	s18 =	sld [smem:$0x3FFB];
	_ =	sdelay $0x3  }
0x10: {  	_ =	strace s18  }
0x11: {  	s3 =	sld [smem:$0x3FFC];
	_ =	sdelay $0x3  }
0x12: {  	_ =	strace s3  }
0x13: {  	s3 =	sld [smem:$0x3FFD];
	_ =	sdelay $0x3  }
0x14: {  	_ =	strace s3  }
0x15: {  	_ =	strace $0x8FFFFFFF  }
0x16: {  	s19 =	sld [smem:$0x3FDB];
	_ =	sdelay $0x1  }
0x17: {  	s20 =	simm.s32 $_scs_section_size  }
0x18: {  	s5 =	simm.s32 $_size__tile_overlayer_lowered;
	s6 =	simm.s32 $_tile_overlayer_lowered  }
0x19: {  	s23 =	simm.s32 $0x1BFF;
	s22 =	sshll.u32 s6, $0x1;
	s3 =	sadd.s32 s20, s19  }
0x1a: {  	s7 =	simm.s32 $0x0;
	s21 =	sshll.u32 s5, $0x1;
	s5 =	sadd.s32 s22, s3  }
0x1b: {  	[timem:s7], [sflag:s23] =	dma.local [hbm:s5], s21  }
0x1c: {  	_ =	swait.ge [sflag:s23], s21  }
0x1d: {  	s4 =	ssub.s32 $0x0, s21;
	[sflag:s23] =	ssyncset.done $0x0  }
0x1e: {  	[sflag:s23] =	ssyncadd.s32 s4;
	_ =	sdelay $0x1  }
0x1f: {  	s24 =	simm.s32 $0x1B8B  }
0x20: {  	_ =	swait.ge [sflag:s24], $0x1  }
0x21: {  	[sflag:s24] =	ssyncset.done $0x0  }
0x22: {  	s26 =	simm.s32 $0x1B8E;
	s25 =	sld [smem:$0x3FFE];
	[sflag:s24] =	ssyncadd.s32 $0xFFFFFFFF  }
0x23: {  	s27 =	simm.s32 $execute0_lowered;
	[smem:$0x3FD2] =	sst s26  }
0x24: {  	s5 =	sshll.u32 s27, $0x1;
	_ =	strace $0x80000046;
	[dreg:$0x1] =	wrdreg $0xFFFFFFFF  }
0x25: {  	s28 =	simm.s32 $_size_execute0_lowered;
	s3 =	sadd.s32 s3, s5;
	[dreg:$0x0] =	wrdreg $0x0  }
0x26: {  	s5 =	sshll.u32 s28, $0x1;
	[dreg:$0x2] =	wrdreg s3  }
0x27: {  	[dreg:$0x3] =	wrdreg s5  }
0x28: {  	[dreg:$0x4] =	wrdreg $0xC0  }
0x29: {  	_ =	task [dreg:s7], $0x5FFFF  }
0x2a: {  	[dreg:$0x1] =	wrdreg $0xFFFFFFFF  }
0x2b: {  	[dreg:$0x0] =	wrdreg $0x60  }
0x2c: {  	[dreg:$0x2] =	wrdreg s25  }
0x2d: {  	[dreg:$0x3] =	wrdreg s17  }
0x2e: {  	[dreg:$0x4] =	wrdreg $0x9  }
0x2f: {  	_ =	task.clear_ibuf [dreg:s7], $0x5FFFF;
	_ =	strace $0x90000046  }
0x30: {  	s29 =	simm.s32 $0x9;
	_ =	strace $0x80000048  }
0x31: {  	_ =	swait.ge [sflag:s29], $0x1  }
0x32: {  	[sflag:s29] =	ssyncadd.s32 $0xFFFFFFFF  }
0x33: {  	_ =	strace $0x90000048  }
0x34: {  	_ =	sfence  }
0x35: {  	s30 =	sld [smem:$0x0];
	_ =	sdelay $0x2  }
0x36: {  	s31 =	sshll.u32 s1, $0xD;
	s1 =	sshrl.u32 s1, $0x2  }
0x37: {  	s3 =	sand.u32 $0x4000, s31;
	s1 =	sadd.s32 s1, s30  }
0x38: {  	s0 =	sor.u32 s3, s0;
	s1 =	sshll.u32 s1, $0x11  }
0x39: {  	s0 =	sor.u32 s1, s0  }
0x3a: {  	s0 =	sadd.s32 $0x8F2B, s0  }
0x3b: {  	[sflag:s0] =	ssyncadd.remote.s32 $0x1  }
0x3c: {  	_ =	sfence.sel $0xFFFF  }
0x3d: {  	[dreg:$0x0] =	wrdreg $0xFFFFFFFF;
	(pc) =	sbr.abs _section_cstart, $3  }
0x3e: {  	[dreg:$0x1] =	wrdreg $0xFFFFFFFF  }
0x3f: {  	_ =	task.clear_ibuf [dreg:s7], $0x2FFFF;
	_ =	strace $0x9FFFFFFF  }
0x40: {  	(tm) =	ssettm $0x7FFFFFFF  }
0x41: {  	_ =	shalt  }
tec
execute0_lowered:
.L_overlay_start_1:
0x0: {  	(tag) =	ssettag $0x1  }
0x1: {  	s0 =	srdreg.scid  }
0x2: {  	s1 =	sshll.u32 s0, $0x4  }
0x3: {  	s0 =	stileid.u32;
	s1 =	sand.u32 $0x10, s1  }
0x4: {  	s1 =	sor.u32 s0, s1  }
0x5: {  	s6 =	rddreg [dreg:$0x0];
	s4 =	simm.s32 $0x1;
	s2 =	sshll.u32 s1, $0x7  }
0x6: {  	s7 =	simm.s32 $0x2;
	s12 =	simm.s32 $0x0;
	s1 =	ssub.s32 $0x4000, s2  }
0x7: {  	s8 =	simm.s32 $0x20000;
	s13 =	simm.s32 $0x0;
	s3 =	sand.u32 $0xF80, s1  }
0x8: {  	s9 =	simm.s32 $0x0;
	s5 =	sshrl.u32 s1, $0xC;
	p0 =	sne.s32 s3, $0x0  }
.Ltmp0:
0x9: {  	s1 =	rddreg [dreg:$0x2];
	s4 =	simm.s32 @!p0 $0x0;
	(pc) =	sbr.rel .LBB1_1-.Ltmp0, $4  }
0xa: {  	s11 =	simm.s32 $0x0;
	s3 =	rddreg [dreg:$0x1];
	s5 =	sadd.s32 s4, s5  }
0xb: {  	_ =	strace $0x80000047;
	s4 =	simm.s32 $0x1;
	s5 =	smul.u32 $0x11, s5  }
0xc: {  	s6 =	sadd.s32 $0xC00, s6;
	s10 =	smov.u32 s2;
	[sflag:s4] =	ssyncpa.u1 $0x0  }
0xd: {  	p0 =	por $0x0, $0x0;
	[sflag:s7] =	ssyncpa.u1 $0x0;
	s7 =	sadd.s32 $0x1, s5  }
.LBB1_4:
0xe: {  	s16 =	sshll.u32 s13, $0x3;
	s17 =	sand.u32 $0x78, s13  }
0xf: {  	s30 =	sand.u32 $0x1F800, s13;
	s12 =	sshll.u32 s12, $0x11;
	s16 =	sand.u32 $0x3C00, s16  }
0x10: {  	[tilespmem:s15+$0x810 ss:$0x81] =	vst.msk $0xffff, v2;
	s31 =	sand.u32 $0x7, s13;
	s16 =	sor.u32 s17, s16;
	s17 =	sadd.s32 s3, s30  }
0x11: {  	[tilespmem:s15+$0x1020 ss:$0x81] =	vst.msk $0xffff, v0;
	s13 =	sshll.u32 s31, $0x12;
	s12 =	sadd.s32 s12, s17;
	s16 =	sshrl.u32 s16, $0x3  }
0x12: {  	[tilespmem:s15+$0x0 ss:$0x81] =	vst.msk $0xffff, v1;
	s13 =	sor.u32 $0x400, s13;
	s12 =	sadd.s32 s16, s12  }
0x13: {  	[hbm4b:s12+s13] =	stream.strided.scatter [tilespmem:s14], [sflag:$0x2], $0x2000, s8, s13, $0x20;
	[tilespmem:$0x8080] =	vst v63  }
.LBB1_5:
0x14: {  	s14 =	sadd.s32 $0x1, s9  }
0x15: {  	s12 =	sadd.s32 $0x1000, s10;
	s16 =	smov.u32 s10;
	p2 =	sgt.s32 s14, $0x10  }
0x16: {  	s16 =	smov.u32 @p2 s12  }
0x17: {  	s14 =	simm.s32 @p2 $0x0;
	p2 =	sgt.s32 s16, $0x3FFF  }
0x18: {  	s16 =	smov.u32 @p2 s2;
	p2 =	sne.s32 s11, s7  }
.Ltmp1:
0x19: {  	p1 =	slt.u32 s11, $0x2;
	(pc) =	sbr.rel @!p2 .LBB1_6-.Ltmp1, $4  }
0x1a: {  	s15 =	simm.s32 @!p1 $0x2  }
0x1b: {  	s13 =	smov.u32 s10;
	p0 =	por !p0, !p0;
	_ =	swait.ge @!p1 [sflag:s15], $0x2000  }
0x1c: {  	s12 =	smov.u32 s9;
	[sflag:s15] =	ssyncset.done @!p1 $0x0;
	s9 =	smov.u32 s14  }
0x1d: {  	s11 =	sadd.s32 $0x1, s11;
	[sflag:s15] =	ssyncadd.s32 @!p1 $0xFFFFE000;
	s10 =	smov.u32 s16  }
.LBB1_1:
0x1e: {  	p1 =	sge.u32 s11, s5  }
0x1f: {  	s14 =	sand.u32 @!p1 $0x1FFFFFF, s9  }
0x20: {  	s15 =	smulhi.u32 @!p1 $0xAAAAAAB, s14;
	_ =	sdelay $0x1  }
0x21: {  	s15 =	smul.u32 @!p1 $0x18, s15  }
0x22: {  	s16 =	sxor.u32 @!p1 $0xFFFFFFFF, s11;
	s17 =	smul.u32 @!p1 $0x180, s10  }
0x23: {  	s31 =	sadd.s32 $0xFFFFFFFF, s11;
	s16 =	sshll.u32 @!p1 s16, $0xD;
	s14 =	ssub.s32 @!p1 s14, s15  }
0x24: {  	s15 =	sand.u32 @!p1 $0x2000, s16;
	s16 =	sadd.s32 @!p1 s6, s17;
	s14 =	sshll.u32 @!p1 s14, $0x4  }
0x25: {  	s17 =	simm.s32 @!p1 $0xC00;
	s14 =	sadd.s32 @!p1 s14, s16;
	s16 =	simm.s32 @!p1 $0x40  }
0x26: {  	[tilespmem:s15], [sflag:$0x1] =	stream.strided.gather @!p1 [hbm4b:s14+s16], $0x2000, s17, s16, $0x38;
	[tilespmem:$0x8080] =	vst v63  }
0x27: {  	p1 =	sge.u32 s31, s5  }
.Ltmp2:
0x28: {  	_ = 	snop;
	(pc) =	sbr.rel @p1 .LBB1_5-.Ltmp2, $1  }
0x29: {  	_ =	sdelay $0x3  }
0x2a: {  	s14 =	simm.s32 $0x1  }
0x2b: {  	_ =	swait.ge [sflag:s4], $0x2000;
	s14 =	simm.s32 @!p0 $0x0  }
0x2c: {  	[sflag:s4] =	ssyncset.done $0x0;
	s15 =	sshll.u32 s14, $0xD  }
0x2d: {  	[sflag:s4] =	ssyncadd.s32 $0xFFFFE000;
	s18 =	sor.u32 $0x20, s15  }
0x2e: {  	s14 =	smul.u32 $0x8100, s14;
	v3 =	vld [tilespmem:s18+$0x10]  }
0x2f: {  	s30 =	sand.u32 $0x1, s11;
	v2 =	vld [tilespmem:s18+$0xFFFFFFF0]  }
0x30: {  	s15 =	smul.u32 $0x8100, s30;
	s14 =	sshrl.u32 s14, $0x2;
	v0 =	vld [tilespmem:s18+$0x0]  }
0x31: {  	v1 =	vld [tilespmem:s18+$0xFFFFFFE0];
	s16 =	sor.u32 $0x4000, s14  }
0x32: {  	s31 =	sshrl.u32 s15, $0x2;
	s15 =	sadd.s32 $0x0, s16  }
0x33: {  	s17 =	simm.s32 $0x4;
	s18 =	sadd.s32 $0x40, s18;
	s14 =	sor.u32 $0x4000, s31;
	[tilespmem:s15+$0x1830 ss:$0x81] =	vst.msk $0xffff, v3  }
.LBB1_3:
0x34: {  	v3 =	vld [tilespmem:s18+$0x10];
	p1 =	sne.s32 s17, $0x1FC;
	[tilespmem:s15+$0x810 ss:$0x81] =	vst.msk $0xffff, v2;
	s19 =	smov.u32 s17;
	s17 =	sadd.s32 $0x4, s17  }
.Ltmp3:
0x35: {  	v2 =	vld [tilespmem:s18+$0xFFFFFFF0];
	[tilespmem:s15+$0x1020 ss:$0x81] =	vst.msk $0xffff, v0;
	(pc) =	sbr.rel @p1 .LBB1_3-.Ltmp3, $4  }
0x36: {  	v0 =	vld [tilespmem:s18+$0x0];
	[tilespmem:s15+$0x0 ss:$0x81] =	vst.msk $0xffff, v1  }
0x37: {  	s15 =	sshra.s32 s19, $0x2;
	v1 =	vld [tilespmem:s18+$0xFFFFFFE0]  }
0x38: {  	s15 =	sadd.s32 s15, s16  }
0x39: {  	s18 =	sadd.s32 $0x40, s18;
	[tilespmem:s15+$0x1830 ss:$0x81] =	vst.msk $0xffff, v3  }
.Ltmp4:
0x3a: {  	_ = 	snop;
	(pc) =	sbr.rel .LBB1_4-.Ltmp4, $1  }
0x3b: {  	_ =	sdelay $0x3  }
.LBB1_6:
0x3c: {  	_ =	sfence.sel $0x180000  }
0x3d: {  	s2 =	simm.s32 $0x1;
	[bflag:$0x0] =	sbarrier.arrive $0xFFFF  }
0x3e: {  	s31 =	simm.s32 $0x2;
	[sflag:s2] =	ssyncpa.u1 $0x1  }
0x3f: {  	[sflag:s31] =	ssyncpa.u1 $0x1  }
0x40: {  	p0 =	sne.s32 s0, $0x0;
	_ =	strace $0x90000047  }
0x41: {  	s0 =	sadd.s32 @!p0 $0x100000, s1;
	[bflag:$0x2] =	sbarrier.arrive $0xFFFF  }
0x42: {  	[sflag:s0] =	ssyncadd.tile.s32 @!p0 $0x1;
	_ =	shalt  }
.Lfunc_end1:
_tile_overlayer_lowered:
.L_overlay_start_2:
0x43: {  	(tag) =	ssettag $0x2  }
0x44: {  	s0 =	rddreg [dreg:$0x0];
	s2 =	stileid.u32  }
0x45: {  	s1 =	rddreg [dreg:$0x1];
	p0 =	sne.s32 s2, $0x0  }
0x46: {  	s3 =	rddreg [dreg:$0x2];
	[bflag:$0x3] =	sbarrier.arrive $0xFFFF;
	s2 =	simm.s32 @!p0 $0x1C01  }
0x47: {  	[timem:s3], [sflag:s2] =	dma.local @!p0 [hbm:s0], s1  }
0x48: {  	s0 =	simm.s32 @!p0 $0x1  }
0x49: {  	_ =	swait.ge @!p0 [sflag:s0], s1  }
0x4a: {  	s1 =	ssub.s32 @!p0 $0x0, s1;
	[sflag:s0] =	ssyncset.done @!p0 $0x0  }
0x4b: {  	[sflag:s0] =	ssyncadd.s32 @!p0 s1  }
0x4c: {  	[bflag:$0x3] =	sbarrier.arrive $0xFFFF  }
0x4d: {  	_ =	shalt  }

</sc_bundles>
